<compile_context>
chip_gen: v7x
topology: tpu7x:2x2x1
jax: 0.10.2.dev20260603
libtpu: 0.0.44.dev20260713+nightly
codegen_flags: <defaults>
</compile_context>

<pallas_src>
import functools

import jax
import jax.numpy as jnp
from jax import lax
from jax.experimental import pallas as pl
from jax.experimental.pallas import tpu as pltpu
from jax.experimental.pallas import tpu_sc as plsc

B, P, K = 16384, 1000, 4
NC, NS = 2, 16
NW = NC * NS
NTB = B // 128
HTB = NTB // 2
HB = B // 2
NBLK = 64

_mesh = plsc.VectorSubcoreMesh(
    core_axis_name="c", subcore_axis_name="s", num_cores=NC, num_subcores=NS
)


@functools.partial(
    pl.kernel,
    out_type=jax.ShapeDtypeStruct((P, NTB, K, 128), jnp.float32),
    mesh=_mesh,
    scratch_types=[
        pltpu.VMEM((HB,), jnp.float32),
        pltpu.VMEM((HB,), jnp.float32),
        pltpu.VMEM((HTB, K, 128), jnp.float32),
        pltpu.VMEM((HTB, K, 128), jnp.float32),
        pltpu.SemaphoreType.DMA,
        pltpu.SemaphoreType.DMA,
        pltpu.SemaphoreType.DMA,
        pltpu.SemaphoreType.DMA,
    ],
)
def _onehot_sc(xt_hbm, out_hbm, x_v0, x_v1, o_v0, o_v1, si0, si1, so0, so1):
    wid = lax.axis_index("s") * NC + lax.axis_index("c")
    xv = (x_v0, x_v1)
    ov = (o_v0, o_v1)
    si = (si0, si1)
    so = (so0, so1)

    def pof(jb):
        return (jb >> 1) * NW + wid

    def in_window(jb):
        return xt_hbm.at[pof(jb), pl.ds((jb & 1) * HB, HB)]

    def out_window(jb):
        return out_hbm.at[pof(jb), pl.ds((jb & 1) * HTB, HTB), :, :]

    @pl.when(pof(0) < P)
    def _():
        pltpu.async_copy(in_window(0), xv[0], si[0])

    @pl.loop(0, NBLK // 2)
    def _blk_loop(j):
        for b in range(2):
            jb = 2 * j + b

            @pl.when(pof(jb + 1) < P)
            def _():
                pltpu.async_copy(in_window(jb + 1), xv[1 - b], si[1 - b])

            @pl.when(pof(jb) < P)
            def _():
                pltpu.make_async_copy(in_window(jb), xv[b], si[b]).wait()

                @pl.when((jb >= 2) & (pof(jb - 2) < P))
                def _():
                    pltpu.make_async_copy(ov[b], out_window(jb - 2), so[b]).wait()


                pltpu.async_copy(ov[b], out_window(jb), so[b])

    nvalid = jnp.where(wid < (P % NW), NBLK, NBLK - 2)
    pltpu.make_async_copy(ov[0], out_window(nvalid - 2), so[0]).wait()
    pltpu.make_async_copy(ov[1], out_window(nvalid - 1), so[1]).wait()


def kernel(x):
    y = _onehot_sc(x.T)
    return y.transpose(1, 3, 0, 2).reshape(B, P, K)

# --- scband reference (transcript-rebuilt; emitter-appended) ---
"""Pipeline reference for scband-one-hot-encoder-20177756356638 (READ-ONLY COPY).

The authoritative reference and input builder live on the scoring server;
editing this copy changes nothing except your own understanding.
"""

import jax, jax.numpy as jnp
import numpy as np

NUM_BINS = 4


def setup_inputs(seed: int = 0) -> dict:
    key = jax.random.key(seed)
    # counts in [0, 6): values >= num_bins exercise the clamp path (the '3+' bin)
    x = jax.random.randint(key, (16384, 1000), 0, 6).astype(jnp.float32)
    return {"x": x}


def reference(x):
    # Faithful translation of create_onehot_encoding (eval path, use_ste=False)
    batch_size, num_prototypes = x.shape
    indices = jnp.clip(x.astype(jnp.int32), 0, NUM_BINS - 1)
    onehot = jnp.zeros((batch_size, num_prototypes, NUM_BINS), dtype=jnp.float32)
    batch_indices = jnp.broadcast_to(jnp.arange(batch_size)[:, None], (batch_size, num_prototypes))
    proto_indices = jnp.broadcast_to(jnp.arange(num_prototypes)[None, :], (batch_size, num_prototypes))
    onehot = onehot.at[batch_indices, proto_indices, indices].set(1.0)
    return onehot

if __name__ == "__main__":
    import jax
    _d = setup_inputs()
    print(jax.jit(kernel)(*tuple(_d.values())))

</pallas_src>

<mosaic_0001>
#map = affine_map<(d0, d1) -> (0, 0)>
#map1 = affine_map<(d0, d1) -> (0, 0, 0, 0)>
module attributes {stable_mosaic.version = 14 : i64} {
  func.func @_onehot_sc(%arg0: i32, %arg1: i32, %arg2: memref<1000x16384xf32, #tpu.memory_space<hbm>>, %arg3: memref<1000x128x4x128xf32, #tpu.memory_space<hbm>>, %arg4: memref<8192xf32, #tpu.memory_space<vmem>>, %arg5: memref<8192xf32, #tpu.memory_space<vmem>>, %arg6: memref<64x4x128xf32, #tpu.memory_space<vmem>>, %arg7: memref<64x4x128xf32, #tpu.memory_space<vmem>>, %arg8: memref<!tpu.dma_semaphore, #tpu.memory_space<semaphore_mem>>, %arg9: memref<!tpu.dma_semaphore, #tpu.memory_space<semaphore_mem>>, %arg10: memref<!tpu.dma_semaphore, #tpu.memory_space<semaphore_mem>>, %arg11: memref<!tpu.dma_semaphore, #tpu.memory_space<semaphore_mem>>) attributes {dimension_semantics = [#tpu.dimension_semantics<core_parallel>, #tpu.dimension_semantics<subcore_parallel>], iteration_bounds = array<i64: 2, 16>, scalar_prefetch = 0 : i64, scratch_operands = 8 : i64, tpu.core_type = #tpu.core_type<sc_vector_subcore>, window_params = [{transform_indices = #map}, {transform_indices = #map1}]} {
    %mul3A = arith.constant 2 : i32
    %mul3A_0 = arith.muli %arg1, %mul3A : i32
    %add3A = arith.addi %mul3A_0, %arg0 : i32
    %add3A_1 = arith.constant 0 : i32
    %add3A_2 = arith.addi %add3A_1, %add3A : i32
    %lt3A = arith.constant 1000 : i32
    %lt3A_3 = arith.cmpi slt, %add3A_2, %lt3A : i32
    %convert_element_type3A = arith.extui %lt3A_3 : i1 to i32
    %cond3A = arith.constant 0 : i32
    %cond3A_4 = arith.cmpi ne, %convert_element_type3A, %cond3A : i32
    scf.if %cond3A_4 {
      %add3A_46 = arith.constant 0 : i32
      %add3A_47 = arith.addi %add3A_46, %add3A : i32
      %dma_start3A = arith.constant 0 : i32
      %dma_start3A_48 = tpu.memref_slice %arg2[%add3A_47, %dma_start3A] : memref<1000x16384xf32, #tpu.memory_space<hbm>> -> memref<1x8192xf32, #tpu.memory_space<hbm>>
      %dma_start3A_49 = tpu.memref_squeeze %dma_start3A_48 : memref<1x8192xf32, #tpu.memory_space<hbm>> -> memref<8192xf32, #tpu.memory_space<hbm>>
      %dma_start3A_50 = arith.constant 0 : i32
      %dma_start3A_51 = tpu.memref_slice %arg2[%add3A_47, %dma_start3A_50] : memref<1000x16384xf32, #tpu.memory_space<hbm>> -> memref<1x8192xf32, #tpu.memory_space<hbm>>
      %dma_start3A_52 = tpu.memref_squeeze %dma_start3A_51 : memref<1x8192xf32, #tpu.memory_space<hbm>> -> memref<8192xf32, #tpu.memory_space<hbm>>
      tpu.enqueue_dma source(%dma_start3A_52 : memref<8192xf32, #tpu.memory_space<hbm>>) target(%arg4 : memref<8192xf32, #tpu.memory_space<vmem>>) target_semaphore(%arg8 : memref<!tpu.dma_semaphore, #tpu.memory_space<semaphore_mem>>)
    } else {
    }
    %scan3A = arith.constant 0 : i32
    %scan3A_5 = arith.constant 32 : i32
    %scan3A_6 = arith.addi %scan3A, %scan3A_5 : i32
    %scan3A_7 = arith.constant 1 : i32
    scf.for %scan3A_46 = %scan3A to %scan3A_6 step %scan3A_7  : i32 {
      %mul3A_47 = arith.constant 1 : i32
      %mul3A_48 = arith.muli %scan3A_46, %mul3A_47 : i32
      %add3A_49 = arith.constant 0 : i32
      %add3A_50 = arith.addi %add3A_49, %mul3A_48 : i32
      %mul3A_51 = arith.constant 2 : i32
      %mul3A_52 = arith.muli %mul3A_51, %add3A_50 : i32
      %add3A_53 = arith.constant 0 : i32
      %add3A_54 = arith.addi %mul3A_52, %add3A_53 : i32
      %add3A_55 = arith.constant 1 : i32
      %add3A_56 = arith.addi %add3A_54, %add3A_55 : i32
      %shift_right_arithmetic3A_57 = arith.constant 1 : i32
      %shift_right_arithmetic3A_58 = arith.shrsi %add3A_56, %shift_right_arithmetic3A_57 : i32
      %mul3A_59 = arith.constant 32 : i32
      %mul3A_60 = arith.muli %shift_right_arithmetic3A_58, %mul3A_59 : i32
      %add3A_61 = arith.addi %mul3A_60, %add3A : i32
      %lt3A_62 = arith.constant 1000 : i32
      %lt3A_63 = arith.cmpi slt, %add3A_61, %lt3A_62 : i32
      %convert_element_type3A_64 = arith.extui %lt3A_63 : i1 to i32
      %cond3A_65 = arith.constant 0 : i32
      %cond3A_66 = arith.cmpi ne, %convert_element_type3A_64, %cond3A_65 : i32
      scf.if %cond3A_66 {
        %add3A_103 = arith.constant 1 : i32
        %add3A_104 = arith.addi %add3A_54, %add3A_103 : i32
        %shift_right_arithmetic3A_105 = arith.constant 1 : i32
        %shift_right_arithmetic3A_106 = arith.shrsi %add3A_104, %shift_right_arithmetic3A_105 : i32
        %mul3A_107 = arith.constant 32 : i32
        %mul3A_108 = arith.muli %shift_right_arithmetic3A_106, %mul3A_107 : i32
        %add3A_109 = arith.addi %mul3A_108, %add3A : i32
        %and3A_110 = arith.constant 1 : i32
        %and3A_111 = arith.andi %add3A_104, %and3A_110 : i32
        %mul3A_112 = arith.constant 8192 : i32
        %mul3A_113 = arith.muli %and3A_111, %mul3A_112 : i32
        %dma_start3A = tpu.memref_slice %arg2[%add3A_109, %mul3A_113] : memref<1000x16384xf32, #tpu.memory_space<hbm>> -> memref<1x8192xf32, #tpu.memory_space<hbm>>
        %dma_start3A_114 = tpu.memref_squeeze %dma_start3A : memref<1x8192xf32, #tpu.memory_space<hbm>> -> memref<8192xf32, #tpu.memory_space<hbm>>
        %dma_start3A_115 = tpu.memref_slice %arg2[%add3A_109, %mul3A_113] : memref<1000x16384xf32, #tpu.memory_space<hbm>> -> memref<1x8192xf32, #tpu.memory_space<hbm>>
        %dma_start3A_116 = tpu.memref_squeeze %dma_start3A_115 : memref<1x8192xf32, #tpu.memory_space<hbm>> -> memref<8192xf32, #tpu.memory_space<hbm>>
        tpu.enqueue_dma source(%dma_start3A_116 : memref<8192xf32, #tpu.memory_space<hbm>>) target(%arg5 : memref<8192xf32, #tpu.memory_space<vmem>>) target_semaphore(%arg9 : memref<!tpu.dma_semaphore, #tpu.memory_space<semaphore_mem>>)
      } else {
      }
      %shift_right_arithmetic3A_67 = arith.constant 1 : i32
      %shift_right_arithmetic3A_68 = arith.shrsi %add3A_54, %shift_right_arithmetic3A_67 : i32
      %mul3A_69 = arith.constant 32 : i32
      %mul3A_70 = arith.muli %shift_right_arithmetic3A_68, %mul3A_69 : i32
      %add3A_71 = arith.addi %mul3A_70, %add3A : i32
      %lt3A_72 = arith.constant 1000 : i32
      %lt3A_73 = arith.cmpi slt, %add3A_71, %lt3A_72 : i32
      %convert_element_type3A_74 = arith.extui %lt3A_73 : i1 to i32
      %cond3A_75 = arith.constant 0 : i32
      %cond3A_76 = arith.cmpi ne, %convert_element_type3A_74, %cond3A_75 : i32
      scf.if %cond3A_76 {
        %shift_right_arithmetic3A_103 = arith.constant 1 : i32
        %shift_right_arithmetic3A_104 = arith.shrsi %add3A_54, %shift_right_arithmetic3A_103 : i32
        %mul3A_105 = arith.constant 32 : i32
        %mul3A_106 = arith.muli %shift_right_arithmetic3A_104, %mul3A_105 : i32
        %add3A_107 = arith.addi %mul3A_106, %add3A : i32
        %and3A_108 = arith.constant 1 : i32
        %and3A_109 = arith.andi %add3A_54, %and3A_108 : i32
        %mul3A_110 = arith.constant 8192 : i32
        %mul3A_111 = arith.muli %and3A_109, %mul3A_110 : i32
        %dma_wait3A_112 = tpu.memref_slice %arg2[%add3A_107, %mul3A_111] : memref<1000x16384xf32, #tpu.memory_space<hbm>> -> memref<1x8192xf32, #tpu.memory_space<hbm>>
        %dma_wait3A_113 = tpu.memref_squeeze %dma_wait3A_112 : memref<1x8192xf32, #tpu.memory_space<hbm>> -> memref<8192xf32, #tpu.memory_space<hbm>>
        %dma_wait3A_114 = tpu.memref_slice %arg2[%add3A_107, %mul3A_111] : memref<1000x16384xf32, #tpu.memory_space<hbm>> -> memref<1x8192xf32, #tpu.memory_space<hbm>>
        %dma_wait3A_115 = tpu.memref_squeeze %dma_wait3A_114 : memref<1x8192xf32, #tpu.memory_space<hbm>> -> memref<8192xf32, #tpu.memory_space<hbm>>
        tpu.wait_dma2 semaphore(%arg8 : memref<!tpu.dma_semaphore, #tpu.memory_space<semaphore_mem>>) src(%dma_wait3A_115 : memref<8192xf32, #tpu.memory_space<hbm>>) dst(%arg4 : memref<8192xf32, #tpu.memory_space<vmem>>)
        %ge3A = arith.constant 2 : i32
        %ge3A_116 = arith.cmpi sge, %add3A_54, %ge3A : i32
        %sub3A_117 = arith.constant 2 : i32
        %sub3A_118 = arith.subi %add3A_54, %sub3A_117 : i32
        %shift_right_arithmetic3A_119 = arith.constant 1 : i32
        %shift_right_arithmetic3A_120 = arith.shrsi %sub3A_118, %shift_right_arithmetic3A_119 : i32
        %mul3A_121 = arith.constant 32 : i32
        %mul3A_122 = arith.muli %shift_right_arithmetic3A_120, %mul3A_121 : i32
        %add3A_123 = arith.addi %mul3A_122, %add3A : i32
        %lt3A_124 = arith.constant 1000 : i32
        %lt3A_125 = arith.cmpi slt, %add3A_123, %lt3A_124 : i32
        %and3A_126 = arith.andi %ge3A_116, %lt3A_125 : i1
        %convert_element_type3A_127 = arith.extui %and3A_126 : i1 to i32
        %cond3A_128 = arith.constant 0 : i32
        %cond3A_129 = arith.cmpi ne, %convert_element_type3A_127, %cond3A_128 : i32
        scf.if %cond3A_129 {
          %sub3A_146 = arith.constant 2 : i32
          %sub3A_147 = arith.subi %add3A_54, %sub3A_146 : i32
          %shift_right_arithmetic3A_148 = arith.constant 1 : i32
          %shift_right_arithmetic3A_149 = arith.shrsi %sub3A_147, %shift_right_arithmetic3A_148 : i32
          %mul3A_150 = arith.constant 32 : i32
          %mul3A_151 = arith.muli %shift_right_arithmetic3A_149, %mul3A_150 : i32
          %add3A_152 = arith.addi %mul3A_151, %add3A : i32
          %and3A_153 = arith.constant 1 : i32
          %and3A_154 = arith.andi %sub3A_147, %and3A_153 : i32
          %mul3A_155 = arith.constant 64 : i32
          %mul3A_156 = arith.muli %and3A_154, %mul3A_155 : i32
          %dma_wait3A_157 = arith.constant 0 : i32
          %dma_wait3A_158 = arith.constant 0 : i32
          %dma_wait3A_159 = tpu.memref_slice %arg3[%add3A_152, %mul3A_156, %dma_wait3A_157, %dma_wait3A_158] : memref<1000x128x4x128xf32, #tpu.memory_space<hbm>> -> memref<1x64x4x128xf32, #tpu.memory_space<hbm>>
          %dma_wait3A_160 = tpu.memref_squeeze %dma_wait3A_159 : memref<1x64x4x128xf32, #tpu.memory_space<hbm>> -> memref<64x4x128xf32, #tpu.memory_space<hbm>>
          %dma_wait3A_161 = arith.constant 0 : i32
          %dma_wait3A_162 = arith.constant 0 : i32
          %dma_wait3A_163 = tpu.memref_slice %arg3[%add3A_152, %mul3A_156, %dma_wait3A_161, %dma_wait3A_162] : memref<1000x128x4x128xf32, #tpu.memory_space<hbm>> -> memref<1x64x4x128xf32, #tpu.memory_space<hbm>>
          %dma_wait3A_164 = tpu.memref_squeeze %dma_wait3A_163 : memref<1x64x4x128xf32, #tpu.memory_space<hbm>> -> memref<64x4x128xf32, #tpu.memory_space<hbm>>
          tpu.wait_dma2 semaphore(%arg10 : memref<!tpu.dma_semaphore, #tpu.memory_space<semaphore_mem>>) src(%arg6 : memref<64x4x128xf32, #tpu.memory_space<vmem>>) dst(%dma_wait3A_164 : memref<64x4x128xf32, #tpu.memory_space<hbm>>)
        } else {
        }
        %shift_right_arithmetic3A_130 = arith.constant 1 : i32
        %shift_right_arithmetic3A_131 = arith.shrsi %add3A_54, %shift_right_arithmetic3A_130 : i32
        %mul3A_132 = arith.constant 32 : i32
        %mul3A_133 = arith.muli %shift_right_arithmetic3A_131, %mul3A_132 : i32
        %add3A_134 = arith.addi %mul3A_133, %add3A : i32
        %and3A_135 = arith.constant 1 : i32
        %and3A_136 = arith.andi %add3A_54, %and3A_135 : i32
        %mul3A_137 = arith.constant 64 : i32
        %mul3A_138 = arith.muli %and3A_136, %mul3A_137 : i32
        %dma_start3A = arith.constant 0 : i32
        %dma_start3A_139 = arith.constant 0 : i32
        %dma_start3A_140 = tpu.memref_slice %arg3[%add3A_134, %mul3A_138, %dma_start3A, %dma_start3A_139] : memref<1000x128x4x128xf32, #tpu.memory_space<hbm>> -> memref<1x64x4x128xf32, #tpu.memory_space<hbm>>
        %dma_start3A_141 = tpu.memref_squeeze %dma_start3A_140 : memref<1x64x4x128xf32, #tpu.memory_space<hbm>> -> memref<64x4x128xf32, #tpu.memory_space<hbm>>
        %dma_start3A_142 = arith.constant 0 : i32
        %dma_start3A_143 = arith.constant 0 : i32
        %dma_start3A_144 = tpu.memref_slice %arg3[%add3A_134, %mul3A_138, %dma_start3A_142, %dma_start3A_143] : memref<1000x128x4x128xf32, #tpu.memory_space<hbm>> -> memref<1x64x4x128xf32, #tpu.memory_space<hbm>>
        %dma_start3A_145 = tpu.memref_squeeze %dma_start3A_144 : memref<1x64x4x128xf32, #tpu.memory_space<hbm>> -> memref<64x4x128xf32, #tpu.memory_space<hbm>>
        tpu.enqueue_dma source(%arg6 : memref<64x4x128xf32, #tpu.memory_space<vmem>>) target(%dma_start3A_145 : memref<64x4x128xf32, #tpu.memory_space<hbm>>) target_semaphore(%arg10 : memref<!tpu.dma_semaphore, #tpu.memory_space<semaphore_mem>>)
      } else {
      }
      %mul3A_77 = arith.constant 2 : i32
      %mul3A_78 = arith.muli %mul3A_77, %add3A_50 : i32
      %add3A_79 = arith.constant 1 : i32
      %add3A_80 = arith.addi %mul3A_78, %add3A_79 : i32
      %add3A_81 = arith.constant 1 : i32
      %add3A_82 = arith.addi %add3A_80, %add3A_81 : i32
      %shift_right_arithmetic3A_83 = arith.constant 1 : i32
      %shift_right_arithmetic3A_84 = arith.shrsi %add3A_82, %shift_right_arithmetic3A_83 : i32
      %mul3A_85 = arith.constant 32 : i32
      %mul3A_86 = arith.muli %shift_right_arithmetic3A_84, %mul3A_85 : i32
      %add3A_87 = arith.addi %mul3A_86, %add3A : i32
      %lt3A_88 = arith.constant 1000 : i32
      %lt3A_89 = arith.cmpi slt, %add3A_87, %lt3A_88 : i32
      %convert_element_type3A_90 = arith.extui %lt3A_89 : i1 to i32
      %cond3A_91 = arith.constant 0 : i32
      %cond3A_92 = arith.cmpi ne, %convert_element_type3A_90, %cond3A_91 : i32
      scf.if %cond3A_92 {
        %add3A_103 = arith.constant 1 : i32
        %add3A_104 = arith.addi %add3A_80, %add3A_103 : i32
        %shift_right_arithmetic3A_105 = arith.constant 1 : i32
        %shift_right_arithmetic3A_106 = arith.shrsi %add3A_104, %shift_right_arithmetic3A_105 : i32
        %mul3A_107 = arith.constant 32 : i32
        %mul3A_108 = arith.muli %shift_right_arithmetic3A_106, %mul3A_107 : i32
        %add3A_109 = arith.addi %mul3A_108, %add3A : i32
        %and3A_110 = arith.constant 1 : i32
        %and3A_111 = arith.andi %add3A_104, %and3A_110 : i32
        %mul3A_112 = arith.constant 8192 : i32
        %mul3A_113 = arith.muli %and3A_111, %mul3A_112 : i32
        %dma_start3A = tpu.memref_slice %arg2[%add3A_109, %mul3A_113] : memref<1000x16384xf32, #tpu.memory_space<hbm>> -> memref<1x8192xf32, #tpu.memory_space<hbm>>
        %dma_start3A_114 = tpu.memref_squeeze %dma_start3A : memref<1x8192xf32, #tpu.memory_space<hbm>> -> memref<8192xf32, #tpu.memory_space<hbm>>
        %dma_start3A_115 = tpu.memref_slice %arg2[%add3A_109, %mul3A_113] : memref<1000x16384xf32, #tpu.memory_space<hbm>> -> memref<1x8192xf32, #tpu.memory_space<hbm>>
        %dma_start3A_116 = tpu.memref_squeeze %dma_start3A_115 : memref<1x8192xf32, #tpu.memory_space<hbm>> -> memref<8192xf32, #tpu.memory_space<hbm>>
        tpu.enqueue_dma source(%dma_start3A_116 : memref<8192xf32, #tpu.memory_space<hbm>>) target(%arg4 : memref<8192xf32, #tpu.memory_space<vmem>>) target_semaphore(%arg8 : memref<!tpu.dma_semaphore, #tpu.memory_space<semaphore_mem>>)
      } else {
      }
      %shift_right_arithmetic3A_93 = arith.constant 1 : i32
      %shift_right_arithmetic3A_94 = arith.shrsi %add3A_80, %shift_right_arithmetic3A_93 : i32
      %mul3A_95 = arith.constant 32 : i32
      %mul3A_96 = arith.muli %shift_right_arithmetic3A_94, %mul3A_95 : i32
      %add3A_97 = arith.addi %mul3A_96, %add3A : i32
      %lt3A_98 = arith.constant 1000 : i32
      %lt3A_99 = arith.cmpi slt, %add3A_97, %lt3A_98 : i32
      %convert_element_type3A_100 = arith.extui %lt3A_99 : i1 to i32
      %cond3A_101 = arith.constant 0 : i32
      %cond3A_102 = arith.cmpi ne, %convert_element_type3A_100, %cond3A_101 : i32
      scf.if %cond3A_102 {
        %shift_right_arithmetic3A_103 = arith.constant 1 : i32
        %shift_right_arithmetic3A_104 = arith.shrsi %add3A_80, %shift_right_arithmetic3A_103 : i32
        %mul3A_105 = arith.constant 32 : i32
        %mul3A_106 = arith.muli %shift_right_arithmetic3A_104, %mul3A_105 : i32
        %add3A_107 = arith.addi %mul3A_106, %add3A : i32
        %and3A_108 = arith.constant 1 : i32
        %and3A_109 = arith.andi %add3A_80, %and3A_108 : i32
        %mul3A_110 = arith.constant 8192 : i32
        %mul3A_111 = arith.muli %and3A_109, %mul3A_110 : i32
        %dma_wait3A_112 = tpu.memref_slice %arg2[%add3A_107, %mul3A_111] : memref<1000x16384xf32, #tpu.memory_space<hbm>> -> memref<1x8192xf32, #tpu.memory_space<hbm>>
        %dma_wait3A_113 = tpu.memref_squeeze %dma_wait3A_112 : memref<1x8192xf32, #tpu.memory_space<hbm>> -> memref<8192xf32, #tpu.memory_space<hbm>>
        %dma_wait3A_114 = tpu.memref_slice %arg2[%add3A_107, %mul3A_111] : memref<1000x16384xf32, #tpu.memory_space<hbm>> -> memref<1x8192xf32, #tpu.memory_space<hbm>>
        %dma_wait3A_115 = tpu.memref_squeeze %dma_wait3A_114 : memref<1x8192xf32, #tpu.memory_space<hbm>> -> memref<8192xf32, #tpu.memory_space<hbm>>
        tpu.wait_dma2 semaphore(%arg9 : memref<!tpu.dma_semaphore, #tpu.memory_space<semaphore_mem>>) src(%dma_wait3A_115 : memref<8192xf32, #tpu.memory_space<hbm>>) dst(%arg5 : memref<8192xf32, #tpu.memory_space<vmem>>)
        %ge3A = arith.constant 2 : i32
        %ge3A_116 = arith.cmpi sge, %add3A_80, %ge3A : i32
        %sub3A_117 = arith.constant 2 : i32
        %sub3A_118 = arith.subi %add3A_80, %sub3A_117 : i32
        %shift_right_arithmetic3A_119 = arith.constant 1 : i32
        %shift_right_arithmetic3A_120 = arith.shrsi %sub3A_118, %shift_right_arithmetic3A_119 : i32
        %mul3A_121 = arith.constant 32 : i32
        %mul3A_122 = arith.muli %shift_right_arithmetic3A_120, %mul3A_121 : i32
        %add3A_123 = arith.addi %mul3A_122, %add3A : i32
        %lt3A_124 = arith.constant 1000 : i32
        %lt3A_125 = arith.cmpi slt, %add3A_123, %lt3A_124 : i32
        %and3A_126 = arith.andi %ge3A_116, %lt3A_125 : i1
        %convert_element_type3A_127 = arith.extui %and3A_126 : i1 to i32
        %cond3A_128 = arith.constant 0 : i32
        %cond3A_129 = arith.cmpi ne, %convert_element_type3A_127, %cond3A_128 : i32
        scf.if %cond3A_129 {
          %sub3A_146 = arith.constant 2 : i32
          %sub3A_147 = arith.subi %add3A_80, %sub3A_146 : i32
          %shift_right_arithmetic3A_148 = arith.constant 1 : i32
          %shift_right_arithmetic3A_149 = arith.shrsi %sub3A_147, %shift_right_arithmetic3A_148 : i32
          %mul3A_150 = arith.constant 32 : i32
          %mul3A_151 = arith.muli %shift_right_arithmetic3A_149, %mul3A_150 : i32
          %add3A_152 = arith.addi %mul3A_151, %add3A : i32
          %and3A_153 = arith.constant 1 : i32
          %and3A_154 = arith.andi %sub3A_147, %and3A_153 : i32
          %mul3A_155 = arith.constant 64 : i32
          %mul3A_156 = arith.muli %and3A_154, %mul3A_155 : i32
          %dma_wait3A_157 = arith.constant 0 : i32
          %dma_wait3A_158 = arith.constant 0 : i32
          %dma_wait3A_159 = tpu.memref_slice %arg3[%add3A_152, %mul3A_156, %dma_wait3A_157, %dma_wait3A_158] : memref<1000x128x4x128xf32, #tpu.memory_space<hbm>> -> memref<1x64x4x128xf32, #tpu.memory_space<hbm>>
          %dma_wait3A_160 = tpu.memref_squeeze %dma_wait3A_159 : memref<1x64x4x128xf32, #tpu.memory_space<hbm>> -> memref<64x4x128xf32, #tpu.memory_space<hbm>>
          %dma_wait3A_161 = arith.constant 0 : i32
          %dma_wait3A_162 = arith.constant 0 : i32
          %dma_wait3A_163 = tpu.memref_slice %arg3[%add3A_152, %mul3A_156, %dma_wait3A_161, %dma_wait3A_162] : memref<1000x128x4x128xf32, #tpu.memory_space<hbm>> -> memref<1x64x4x128xf32, #tpu.memory_space<hbm>>
          %dma_wait3A_164 = tpu.memref_squeeze %dma_wait3A_163 : memref<1x64x4x128xf32, #tpu.memory_space<hbm>> -> memref<64x4x128xf32, #tpu.memory_space<hbm>>
          tpu.wait_dma2 semaphore(%arg11 : memref<!tpu.dma_semaphore, #tpu.memory_space<semaphore_mem>>) src(%arg7 : memref<64x4x128xf32, #tpu.memory_space<vmem>>) dst(%dma_wait3A_164 : memref<64x4x128xf32, #tpu.memory_space<hbm>>)
        } else {
        }
        %shift_right_arithmetic3A_130 = arith.constant 1 : i32
        %shift_right_arithmetic3A_131 = arith.shrsi %add3A_80, %shift_right_arithmetic3A_130 : i32
        %mul3A_132 = arith.constant 32 : i32
        %mul3A_133 = arith.muli %shift_right_arithmetic3A_131, %mul3A_132 : i32
        %add3A_134 = arith.addi %mul3A_133, %add3A : i32
        %and3A_135 = arith.constant 1 : i32
        %and3A_136 = arith.andi %add3A_80, %and3A_135 : i32
        %mul3A_137 = arith.constant 64 : i32
        %mul3A_138 = arith.muli %and3A_136, %mul3A_137 : i32
        %dma_start3A = arith.constant 0 : i32
        %dma_start3A_139 = arith.constant 0 : i32
        %dma_start3A_140 = tpu.memref_slice %arg3[%add3A_134, %mul3A_138, %dma_start3A, %dma_start3A_139] : memref<1000x128x4x128xf32, #tpu.memory_space<hbm>> -> memref<1x64x4x128xf32, #tpu.memory_space<hbm>>
        %dma_start3A_141 = tpu.memref_squeeze %dma_start3A_140 : memref<1x64x4x128xf32, #tpu.memory_space<hbm>> -> memref<64x4x128xf32, #tpu.memory_space<hbm>>
        %dma_start3A_142 = arith.constant 0 : i32
        %dma_start3A_143 = arith.constant 0 : i32
        %dma_start3A_144 = tpu.memref_slice %arg3[%add3A_134, %mul3A_138, %dma_start3A_142, %dma_start3A_143] : memref<1000x128x4x128xf32, #tpu.memory_space<hbm>> -> memref<1x64x4x128xf32, #tpu.memory_space<hbm>>
        %dma_start3A_145 = tpu.memref_squeeze %dma_start3A_144 : memref<1x64x4x128xf32, #tpu.memory_space<hbm>> -> memref<64x4x128xf32, #tpu.memory_space<hbm>>
        tpu.enqueue_dma source(%arg7 : memref<64x4x128xf32, #tpu.memory_space<vmem>>) target(%dma_start3A_145 : memref<64x4x128xf32, #tpu.memory_space<hbm>>) target_semaphore(%arg11 : memref<!tpu.dma_semaphore, #tpu.memory_space<semaphore_mem>>)
      } else {
      }
    }
    %scan3A_8 = arith.constant 32 : i32
    %lt3A_9 = arith.constant 8 : i32
    %lt3A_10 = arith.cmpi slt, %add3A, %lt3A_9 : i32
    %jit3A = arith.constant 64 : i32
    %jit3A_11 = arith.constant 62 : i32
    %select_n3A = arith.select %lt3A_10, %jit3A, %jit3A_11 : i32
    %sub3A = arith.constant 2 : i32
    %sub3A_12 = arith.subi %select_n3A, %sub3A : i32
    %shift_right_arithmetic3A = arith.constant 1 : i32
    %shift_right_arithmetic3A_13 = arith.shrsi %sub3A_12, %shift_right_arithmetic3A : i32
    %mul3A_14 = arith.constant 32 : i32
    %mul3A_15 = arith.muli %shift_right_arithmetic3A_13, %mul3A_14 : i32
    %add3A_16 = arith.addi %mul3A_15, %add3A : i32
    %and3A = arith.constant 1 : i32
    %and3A_17 = arith.andi %sub3A_12, %and3A : i32
    %mul3A_18 = arith.constant 64 : i32
    %mul3A_19 = arith.muli %and3A_17, %mul3A_18 : i32
    %dma_wait3A = arith.constant 0 : i32
    %dma_wait3A_20 = arith.constant 0 : i32
    %dma_wait3A_21 = tpu.memref_slice %arg3[%add3A_16, %mul3A_19, %dma_wait3A, %dma_wait3A_20] : memref<1000x128x4x128xf32, #tpu.memory_space<hbm>> -> memref<1x64x4x128xf32, #tpu.memory_space<hbm>>
    %dma_wait3A_22 = tpu.memref_squeeze %dma_wait3A_21 : memref<1x64x4x128xf32, #tpu.memory_space<hbm>> -> memref<64x4x128xf32, #tpu.memory_space<hbm>>
    %dma_wait3A_23 = arith.constant 0 : i32
    %dma_wait3A_24 = arith.constant 0 : i32
    %dma_wait3A_25 = tpu.memref_slice %arg3[%add3A_16, %mul3A_19, %dma_wait3A_23, %dma_wait3A_24] : memref<1000x128x4x128xf32, #tpu.memory_space<hbm>> -> memref<1x64x4x128xf32, #tpu.memory_space<hbm>>
    %dma_wait3A_26 = tpu.memref_squeeze %dma_wait3A_25 : memref<1x64x4x128xf32, #tpu.memory_space<hbm>> -> memref<64x4x128xf32, #tpu.memory_space<hbm>>
    tpu.wait_dma2 semaphore(%arg10 : memref<!tpu.dma_semaphore, #tpu.memory_space<semaphore_mem>>) src(%arg6 : memref<64x4x128xf32, #tpu.memory_space<vmem>>) dst(%dma_wait3A_26 : memref<64x4x128xf32, #tpu.memory_space<hbm>>)
    %sub3A_27 = arith.constant 1 : i32
    %sub3A_28 = arith.subi %select_n3A, %sub3A_27 : i32
    %shift_right_arithmetic3A_29 = arith.constant 1 : i32
    %shift_right_arithmetic3A_30 = arith.shrsi %sub3A_28, %shift_right_arithmetic3A_29 : i32
    %mul3A_31 = arith.constant 32 : i32
    %mul3A_32 = arith.muli %shift_right_arithmetic3A_30, %mul3A_31 : i32
    %add3A_33 = arith.addi %mul3A_32, %add3A : i32
    %and3A_34 = arith.constant 1 : i32
    %and3A_35 = arith.andi %sub3A_28, %and3A_34 : i32
    %mul3A_36 = arith.constant 64 : i32
    %mul3A_37 = arith.muli %and3A_35, %mul3A_36 : i32
    %dma_wait3A_38 = arith.constant 0 : i32
    %dma_wait3A_39 = arith.constant 0 : i32
    %dma_wait3A_40 = tpu.memref_slice %arg3[%add3A_33, %mul3A_37, %dma_wait3A_38, %dma_wait3A_39] : memref<1000x128x4x128xf32, #tpu.memory_space<hbm>> -> memref<1x64x4x128xf32, #tpu.memory_space<hbm>>
    %dma_wait3A_41 = tpu.memref_squeeze %dma_wait3A_40 : memref<1x64x4x128xf32, #tpu.memory_space<hbm>> -> memref<64x4x128xf32, #tpu.memory_space<hbm>>
    %dma_wait3A_42 = arith.constant 0 : i32
    %dma_wait3A_43 = arith.constant 0 : i32
    %dma_wait3A_44 = tpu.memref_slice %arg3[%add3A_33, %mul3A_37, %dma_wait3A_42, %dma_wait3A_43] : memref<1000x128x4x128xf32, #tpu.memory_space<hbm>> -> memref<1x64x4x128xf32, #tpu.memory_space<hbm>>
    %dma_wait3A_45 = tpu.memref_squeeze %dma_wait3A_44 : memref<1x64x4x128xf32, #tpu.memory_space<hbm>> -> memref<64x4x128xf32, #tpu.memory_space<hbm>>
    tpu.wait_dma2 semaphore(%arg11 : memref<!tpu.dma_semaphore, #tpu.memory_space<semaphore_mem>>) src(%arg7 : memref<64x4x128xf32, #tpu.memory_space<vmem>>) dst(%dma_wait3A_45 : memref<64x4x128xf32, #tpu.memory_space<hbm>>)
    return
  }
}

</mosaic_0001>

<sc_bundles>
// kernel: kernel.3.cloned.1.call-start
scs
__scs_entry_jumppad:
0x0: {  	(pc) =	sbr.rel $0x88, $3  }
0x1: {  	(tag) =	ssettag $0x0;
	lr =	simm.s32 $0x1  }
0x2: {  	[smem:$0x3FA0] =	sst lr;
	_ =	strace $0xD0000000  }
0x3: {  	_ = 	snop  }
0x4: {  	_ = 	snop  }
0x5: {  	_ = 	snop  }
0x6: {  	_ = 	snop  }
0x7: {  	_ = 	snop  }
__scs_overlays_trampoline_lowered:
0x8: {  	[smem:$0x3FAF] =	sst s0  }
0x9: {  	[smem:$0x3FB0] =	sst s1  }
0xa: {  	[smem:$0x3FB1] =	sst s2  }
0xb: {  	[smem:$0x3FB2] =	sst s3  }
0xc: {  	[smem:$0x3FB3] =	sst s4  }
0xd: {  	[smem:$0x3FB4] =	sst s5  }
0xe: {  	[smem:$0x3FB5] =	sst s6  }
0xf: {  	[smem:$0x3FB6] =	sst s7  }
0x10: {  	[smem:$0x3FB7] =	sst s8  }
0x11: {  	[smem:$0x3FB8] =	sst s9;
	s0 =	simm.s32 @!p0 $0x0  }
0x12: {  	s1 =	sld [smem:$0x3F9E];
	s0 =	simm.s32 @p0 $0x1  }
0x13: {  	[smem:$0x3FB9] =	sst s0;
	s0 =	simm.s32 @!p1 $0x0  }
0x14: {  	s2 =	sld [smem:$0x3F9D];
	s0 =	simm.s32 @p1 $0x1  }
0x15: {  	[smem:$0x3FBA] =	sst s0;
	s0 =	simm.s32 @!p2 $0x0  }
0x16: {  	s3 =	sld [smem:$0x3FDB];
	s0 =	simm.s32 @p2 $0x1  }
0x17: {  	s4 =	simm.s32 $0x1BF5;
	[smem:$0x3FBC] =	sst s0  }
0x18: {  	s0 =	sld [smem:$0x3F9F];
	_ =	swait.ge [sflag:s4], $0x0  }
0x19: {  	s7 =	sld [smem:$0x3FA0]  }
0x1a: {  	s8 =	sadd.s32 $0xFFFFE003, lr  }
0x1b: {  	s9 =	sadd.s32 $0xFFFFFEF7, lr;
	s5 =	simm.s32 $0xFFFFFFFF;
	p2 =	slt.u32 s8, $0xFFFFF086  }
0x1c: {  	p1 =	slt.u32 s9, $0xF7A;
	s5 =	simm.s32 @!p2 $0x0  }
0x1d: {  	s5 =	simm.s32 @p1 $0x1;
	p0 =	seq.s32 s7, s2  }
0x1e: {  	s7 =	smul.u32 @!p0 $0xF7A, s2;
	p2 =	seq.s32 @!p0 s5, $0x0  }
0x1f: {  	s9 =	smul.u32 $0xF7A, s1;
	s8 =	simm.s32 @!p0 $0x1BF5;
	p2 =	por !p2, p0  }
0x20: {  	[sflag:s8] =	ssyncset.s32 @!p0 $0xFFFFF086;
	s6 =	sadd.s32 @!p0 s3, s7;
	s7 =	simm.s32 @!p0 $0x108  }
0x21: {  	s3 =	sadd.s32 s3, s9;
	s6 =	sadd.s32 @!p0 $0x88, s6;
	s7 =	simm.s32 @p2 $0x1082  }
0x22: {  	[simem:s7], [sflag:s8] =	dma.local @!p0 [hbm:s6], $0xF7A  }
0x23: {  	s9 =	sor.u32 $0xD0000000, s2;
	s6 =	simm.s32 $0x108;
	_ =	swait.ge @!p0 [sflag:s8], $0x0  }
0x24: {  	s3 =	sadd.s32 $0x88, s3;
	s6 =	simm.s32 @!p1 $0x1082;
	[sflag:s4] =	ssyncset.s32 $0xFFFFF086  }
0x25: {  	[simem:s6], [sflag:s4] =	dma.local [hbm:s3], $0xF7A  }
0x26: {  	[smem:$0x3FA0] =	sst s1;
	(tag) =	ssettag s2;
	_ =	strace s9  }
0x27: {  	s1 =	sld [smem:$0x3FB0]  }
0x28: {  	s2 =	sld [smem:$0x3FB1]  }
0x29: {  	s4 =	sld [smem:$0x3FB3]  }
0x2a: {  	p0 =	seq.s32 s5, $0x0;
	s5 =	sld [smem:$0x3FB4]  }
0x2b: {  	s6 =	sld [smem:$0x3FB5]  }
0x2c: {  	s7 =	sld [smem:$0x3FB6]  }
0x2d: {  	s3 =	simm.s32 $0x108;
	s8 =	sld [smem:$0x3FB7]  }
0x2e: {  	s3 =	simm.s32 @!p0 $0x1082;
	s9 =	sld [smem:$0x3FB8]  }
0x2f: {  	lr =	sadd.s32 s0, s3;
	s0 =	sld [smem:$0x3FAF]  }
0x30: {  	s3 =	sld [smem:$0x3FB2]  }
0x31: {  	[smem:$0x3FBB] =	sst s10  }
0x32: {  	s10 =	sld [smem:$0x3FB9];
	_ =	sdelay $0x3  }
0x33: {  	p0 =	seq.s32 s10, $0x1;
	s10 =	sld [smem:$0x3FBB];
	_ =	sdelay $0x3  }
0x34: {  	[smem:$0x3FBB] =	sst s10  }
0x35: {  	s10 =	sld [smem:$0x3FBA];
	_ =	sdelay $0x3  }
0x36: {  	p1 =	seq.s32 s10, $0x1;
	s10 =	sld [smem:$0x3FBB];
	_ =	sdelay $0x3  }
0x37: {  	[smem:$0x3FBB] =	sst s10  }
0x38: {  	s10 =	sld [smem:$0x3FBC]  }
0x39: {  	_ = 	snop;
	(pc) =	sbr.ind lr, $3  }
0x3a: {  	_ = 	snop  }
0x3b: {  	_ = 	snop  }
0x3c: {  	p2 =	seq.s32 s10, $0x1;
	s10 =	sld [smem:$0x3FBB]  }
0x3d: {  	_ =	shalt  }
0x3e: {  	_ =	shalt  }
0x3f: {  	_ =	shalt  }
0x40: {  	_ =	shalt  }
0x41: {  	_ =	shalt  }
0x42: {  	_ =	shalt  }
0x43: {  	_ =	shalt  }
0x44: {  	_ =	shalt  }
0x45: {  	_ =	shalt  }
0x46: {  	_ =	shalt  }
0x47: {  	_ =	shalt  }
0x48: {  	_ =	shalt  }
0x49: {  	_ =	shalt  }
0x4a: {  	_ =	shalt  }
0x4b: {  	_ =	shalt  }
0x4c: {  	_ =	shalt  }
0x4d: {  	_ =	shalt  }
0x4e: {  	_ =	shalt  }
0x4f: {  	_ =	shalt  }
0x50: {  	_ =	shalt  }
0x51: {  	_ =	shalt  }
0x52: {  	_ =	shalt  }
0x53: {  	_ =	shalt  }
0x54: {  	_ =	shalt  }
0x55: {  	_ =	shalt  }
0x56: {  	_ =	shalt  }
0x57: {  	_ =	shalt  }
0x58: {  	_ =	shalt  }
0x59: {  	_ =	shalt  }
0x5a: {  	_ =	shalt  }
0x5b: {  	_ =	shalt  }
0x5c: {  	_ =	shalt  }
0x5d: {  	_ =	shalt  }
0x5e: {  	_ =	shalt  }
0x5f: {  	_ =	shalt  }
0x60: {  	_ =	shalt  }
0x61: {  	_ =	shalt  }
0x62: {  	_ =	shalt  }
0x63: {  	_ =	shalt  }
0x64: {  	_ =	shalt  }
0x65: {  	_ =	shalt  }
0x66: {  	_ =	shalt  }
0x67: {  	_ =	shalt  }
0x68: {  	_ =	shalt  }
0x69: {  	_ =	shalt  }
0x6a: {  	_ =	shalt  }
0x6b: {  	_ =	shalt  }
0x6c: {  	_ =	shalt  }
0x6d: {  	_ =	shalt  }
0x6e: {  	_ =	shalt  }
0x6f: {  	_ =	shalt  }
0x70: {  	_ =	shalt  }
0x71: {  	_ =	shalt  }
0x72: {  	_ =	shalt  }
0x73: {  	_ =	shalt  }
0x74: {  	_ =	shalt  }
0x75: {  	_ =	shalt  }
0x76: {  	_ =	shalt  }
0x77: {  	_ =	shalt  }
0x78: {  	_ =	shalt  }
0x79: {  	_ =	shalt  }
0x7a: {  	_ =	shalt  }
0x7b: {  	_ =	shalt  }
0x7c: {  	_ =	shalt  }
0x7d: {  	_ =	shalt  }
0x7e: {  	_ =	shalt  }
0x7f: {  	_ =	shalt  }
0x80: {  	_ =	shalt  }
0x81: {  	_ =	shalt  }
0x82: {  	_ =	shalt  }
0x83: {  	_ =	shalt  }
0x84: {  	_ =	shalt  }
0x85: {  	_ =	shalt  }
0x86: {  	_ =	shalt  }
0x87: {  	_ =	shalt  }
.Lfunc_end0:
.L_simem_size_0:
called_computation_lowered:
.L_overlay_start_0:
0x88: {  	s2 =	sld [smem:$0x3FD9]  }
0x89: {  	s3 =	sld [smem:$0x3FFE];
	_ =	sdelay $0x1  }
0x8a: {  	s1 =	srdreg.scid  }
0x8b: {  	s0 =	sand.u32 $0x1, s1  }
0x8c: {  	s18 =	sshll.u32 s0, $0xA;
	s2 =	sadd.s32 s3, s2  }
0x8d: {  	s2 =	sadd.s32 s2, s18  }
0x8e: {  	[smem:$0x3FC7] =	sst s2  }
0x8f: {  	_ = 	snop  }
0x90: {  	s2 =	sld [smem:$0x3FC9]  }
0x91: {  	s19 =	sld [smem:$0x3FD0];
	(tm) =	ssettm $0x1  }
0x92: {  	s4 =	sld [smem:$0x3FFB];
	_ =	sdelay $0x3  }
0x93: {  	_ =	strace s4  }
0x94: {  	s4 =	sld [smem:$0x3FFC];
	_ =	sdelay $0x3  }
0x95: {  	_ =	strace s4  }
0x96: {  	s4 =	sld [smem:$0x3FFD];
	_ =	sdelay $0x3  }
0x97: {  	_ =	strace s4  }
0x98: {  	_ =	strace $0x8FFFFFFF  }
0x99: {  	s20 =	sld [smem:$0x3FDB];
	_ =	sdelay $0x1  }
0x9a: {  	s5 =	simm.s32 $_scs_section_size  }
0x9b: {  	s6 =	simm.s32 $_size__tile_overlayer_lowered;
	s7 =	simm.s32 $_tile_overlayer_lowered  }
0x9c: {  	s23 =	simm.s32 $0x1BFF;
	s22 =	sshll.u32 s7, $0x1;
	s4 =	sadd.s32 s5, s20  }
0x9d: {  	s8 =	simm.s32 $0x0;
	s21 =	sshll.u32 s6, $0x1;
	s6 =	sadd.s32 s22, s4  }
0x9e: {  	[timem:s8], [sflag:s23] =	dma.local [hbm:s6], s21  }
0x9f: {  	_ =	swait.ge [sflag:s23], s21  }
0xa0: {  	s5 =	ssub.s32 $0x0, s21;
	[sflag:s23] =	ssyncset.done $0x0  }
0xa1: {  	[sflag:s23] =	ssyncadd.s32 s5;
	_ =	sdelay $0x1  }
0xa2: {  	s24 =	simm.s32 $0x1B8B  }
0xa3: {  	_ =	swait.ge [sflag:s24], $0x1  }
0xa4: {  	[sflag:s24] =	ssyncset.done $0x0  }
0xa5: {  	s25 =	simm.s32 $0x1B8E;
	[sflag:s24] =	ssyncadd.s32 $0xFFFFFFFF  }
0xa6: {  	s26 =	simm.s32 $execute0_lowered;
	[smem:$0x3FD2] =	sst s25  }
0xa7: {  	s5 =	sshll.u32 s26, $0x1;
	_ =	strace $0x80000046;
	[dreg:$0x1] =	wrdreg $0xFFFFFFFF  }
0xa8: {  	s28 =	simm.s32 $_size_execute0_lowered;
	s4 =	sadd.s32 s4, s5;
	[dreg:$0x0] =	wrdreg $0x0  }
0xa9: {  	s5 =	sshll.u32 s28, $0x1;
	[dreg:$0x2] =	wrdreg s4  }
0xaa: {  	[dreg:$0x3] =	wrdreg s5  }
0xab: {  	[dreg:$0x4] =	wrdreg $0xC0  }
0xac: {  	_ =	task [dreg:s8], $0x5FFFF  }
0xad: {  	[dreg:$0x1] =	wrdreg $0xFFFFFFFF  }
0xae: {  	[dreg:$0x0] =	wrdreg $0x60  }
0xaf: {  	[dreg:$0x2] =	wrdreg s2  }
0xb0: {  	[dreg:$0x3] =	wrdreg s19  }
0xb1: {  	[dreg:$0x4] =	wrdreg $0x9  }
0xb2: {  	_ =	task.clear_ibuf [dreg:s8], $0x5FFFF;
	_ =	strace $0x90000046  }
0xb3: {  	s29 =	simm.s32 $0x9;
	_ =	strace $0x80000048  }
0xb4: {  	_ =	swait.ge [sflag:s29], $0x1  }
0xb5: {  	[sflag:s29] =	ssyncadd.s32 $0xFFFFFFFF  }
0xb6: {  	_ =	strace $0x90000048  }
0xb7: {  	_ =	sfence  }
0xb8: {  	s30 =	sld [smem:$0x0];
	_ =	sdelay $0x2  }
0xb9: {  	s31 =	sshll.u32 s1, $0xD;
	s1 =	sshrl.u32 s1, $0x2  }
0xba: {  	s3 =	sand.u32 $0x4000, s31;
	s1 =	sadd.s32 s1, s30  }
0xbb: {  	s0 =	sor.u32 s3, s0;
	s1 =	sshll.u32 s1, $0x11  }
0xbc: {  	s0 =	sor.u32 s1, s0  }
0xbd: {  	s0 =	sadd.s32 $0x8F2B, s0  }
0xbe: {  	[sflag:s0] =	ssyncadd.remote.s32 $0x1  }
0xbf: {  	_ =	sfence.sel $0xFFFF  }
0xc0: {  	[dreg:$0x0] =	wrdreg $0xFFFFFFFF;
	(pc) =	sbr.abs _section_cstart, $3  }
0xc1: {  	[dreg:$0x1] =	wrdreg $0xFFFFFFFF  }
0xc2: {  	_ =	task.clear_ibuf [dreg:s8], $0x2FFFF;
	_ =	strace $0x9FFFFFFF  }
0xc3: {  	(tm) =	ssettm $0x7FFFFFFF  }
tec
execute0_lowered:
.L_overlay_start_1:
0x0: {  	(tag) =	ssettag $0x1  }
0x1: {  	s11 =	rddreg [dreg:$0x0]  }
0x2: {  	s12 =	rddreg [dreg:$0x1];
	s2 =	simm.s32 $0x0  }
0x3: {  	s3 =	srdreg.scid;
	s0 =	stileid.u32;
	s19 =	simm.s32 $0x2  }
0x4: {  	s20 =	simm.s32 $0xC000;
	s21 =	simm.s32 $0x3;
	s22 =	simm.s32 $0x4  }
0x5: {  	s23 =	simm.s32 $0x0;
	[smem:$0x7FF] =	sst s2;
	s13 =	sand.u32 $0x1, s3  }
0x6: {  	s24 =	sshll.u32 s0, $0x1;
	s10 =	sshll.u32 s0, $0xC;
	s29 =	sshll.u32 s0, $0xE  }
0x7: {  	s17 =	sshll.u32 s0, $0x5;
	_ =	strace $0x80000047;
	s14 =	sor.u32 s13, s24  }
0x8: {  	s25 =	ssub.s32 $0x2, s13;
	s4 =	sand.u32 $0xC000, s10;
	s8 =	sor.u32 $0x10000, s10  }
0x9: {  	s16 =	sshll.u32 s13, $0xB;
	s18 =	sshll.u32 s13, $0x4;
	s13 =	sshll.u32 s13, $0xD  }
0xa: {  	s5 =	sshll.u32 s14, $0x4;
	s6 =	sshrl.u32 s25, $0x1;
	s7 =	sadd.s32 s11, s4  }
0xb: {  	s28 =	sshll.u32 s14, $0xD;
	s15 =	sand.u32 $0x1C000, s8;
	s10 =	sor.u32 s16, s10  }
0xc: {  	s30 =	sor.u32 s18, s17;
	s17 =	simm.s32 $0x1;
	s5 =	sand.u32 $0x70, s5  }
0xd: {  	s6 =	ssub.s32 s25, s6;
	s10 =	sor.u32 $0x20000, s10;
	s16 =	sand.u32 $0x70, s30  }
0xe: {  	s3 =	sadd.s32 s5, s7;
	s4 =	sor.u32 s4, s5;
	s7 =	sadd.s32 s12, s28  }
0xf: {  	s12 =	sadd.s32 s29, s12;
	s26 =	sadd.s32 s4, s11;
	s4 =	sadd.s32 s11, s5  }
0x10: {  	s5 =	smax.u32 s6, $0x1;
	s9 =	sadd.s32 $0x1000, s7;
	s12 =	sadd.s32 s13, s12  }
0x11: {  	s6 =	sadd.s32 $0x2000, s26;
	s8 =	sadd.s32 s15, s4;
	s15 =	sadd.s32 s15, s11  }
0x12: {  	s11 =	sor.u32 $0x40, s14;
	s12 =	sadd.s32 $0x41000, s12;
	s31 =	sadd.s32 s16, s15  }
0x13: {  	s14 =	simm.s32 $0x80;
	s15 =	simm.s32 $0x400;
	s13 =	sadd.s32 $0x2000, s31  }
.LBB2_1:
0x14: {  	[tilespmem:s2], [sflag:$0x1] =	stream.strided.gather [hbm4b:s3+s14], $0x2000, s15, s14, $0x38;
	[tilespmem:$0x14000] =	vst v63  }
0x15: {  	s0 =	simm.s32 $0x2000  }
0x16: {  	[tilespmem:s0], [sflag:$0x2] =	stream.strided.gather [hbm4b:s6+s14], $0x2000, s15, s14, $0x38;
	[tilespmem:$0x14000] =	vst v63  }
0x17: {  	_ =	swait.ge [sflag:s17], $0x2000  }
0x18: {  	[sflag:s17] =	ssyncset.done $0x0  }
0x19: {  	s26 =	simm.s32 $0x4000;
	[sflag:s17] =	ssyncadd.s32 $0xFFFFE000  }
0x1a: {  	[hbm4b:s7+s2] =	stream.linear.scatter [tilespmem:s26], [sflag:$0x3], $0x8000, $0x38;
	[tilespmem:$0x14000] =	vst v63  }
0x1b: {  	_ = 	snop  }
0x1c: {  	[tilespmem:s2], [sflag:$0x1] =	stream.strided.gather [hbm4b:s8+s14], $0x2000, s15, s14, $0x38;
	[tilespmem:$0x14000] =	vst v63  }
0x1d: {  	s24 =	sadd.s32 $0xFFFFFFE0, s11;
	_ =	swait.ge [sflag:s19], $0x2000  }
0x1e: {  	p0 =	sgt.u32 s24, $0x3E7;
	[sflag:s19] =	ssyncset.done $0x0  }
0x1f: {  	s24 =	simm.s32 @!p0 $0x80;
	s25 =	simm.s32 @!p0 $0x1;
	[sflag:s19] =	ssyncadd.s32 $0xFFFFE000  }
0x20: {  	[hbm4b:s9+s2] =	stream.linear.scatter [tilespmem:s20], [sflag:$0x4], $0x8000, $0x38;
	[tilespmem:$0x14000] =	vst v63  }
0x21: {  	s28 =	simm.s32 @!p0 $0x400;
	s29 =	simm.s32 @!p0 $0x2000;
	s26 =	sadd.s32 @!p0 $0x0, s13  }
0x22: {  	[tilespmem:s29], [sflag:$0x2] =	stream.strided.gather @!p0 [hbm4b:s26+s24], $0x2000, s28, s24, $0x38;
	[tilespmem:$0x14000] =	vst v63  }
0x23: {  	_ =	swait.ge @!p0 [sflag:s25], $0x2000  }
0x24: {  	[sflag:s25] =	ssyncset.done @!p0 $0x0;
	p0 =	por p0, p0  }
0x25: {  	[sflag:s25] =	ssyncadd.s32 @!p0 $0xFFFFE000;
	s24 =	simm.s32 @!p0 $0x3  }
0x26: {  	p1 =	sgt.u32 s11, $0x3E7;
	_ =	swait.ge @!p0 [sflag:s24], $0x8000  }
0x27: {  	s26 =	sadd.s32 @!p1 $0x0, s10;
	s28 =	simm.s32 @!p0 $0x0;
	[sflag:s24] =	ssyncset.done @!p0 $0x0  }
0x28: {  	s25 =	simm.s32 @!p0 $0x4000;
	[sflag:s24] =	ssyncadd.s32 @!p0 $0xFFFF8000;
	s24 =	sadd.s32 @!p0 $0xFFFFF000, s12  }
0x29: {  	[hbm4b:s24+s28] =	stream.linear.scatter @!p0 [tilespmem:s25], [sflag:$0x3], $0x8000, $0x38;
	[tilespmem:$0x14000] =	vst v63  }
0x2a: {  	s29 =	simm.s32 @!p1 $0x400;
	s30 =	simm.s32 @!p0 $0x2;
	s24 =	sand.u32 @!p1 $0x1FC000, s26  }
0x2b: {  	s25 =	simm.s32 @!p1 $0x0;
	s26 =	simm.s32 @!p1 $0x80;
	s24 =	sadd.s32 @!p1 s24, s4  }
0x2c: {  	[tilespmem:s25], [sflag:$0x1] =	stream.strided.gather @!p1 [hbm4b:s24+s26], $0x2000, s29, s26, $0x38;
	[tilespmem:$0x14000] =	vst v63  }
0x2d: {  	s31 =	simm.s32 @!p0 $0x4;
	s26 =	simm.s32 $0x10000;
	_ =	swait.ge @!p0 [sflag:s30], $0x2000  }
0x2e: {  	s29 =	simm.s32 $0x20000;
	s25 =	sadd.s32 $0x20, s11;
	[sflag:s30] =	ssyncset.done @!p0 $0x0  }
0x2f: {  	s24 =	sadd.s32 $0x40000, s12;
	[sflag:s30] =	ssyncadd.s32 @!p0 $0xFFFFE000;
	s30 =	smov.u32 s12  }
.LBB2_2:
0x30: {  	s0 =	sadd.s32 $0xFFFFFFE0, s25  }
0x31: {  	_ =	swait.ge @!p0 [sflag:s31], $0x8000;
	s1 =	smov.u32 s29;
	s29 =	sadd.s32 $0x10000, s29  }
0x32: {  	p2 =	sgt.u32 s0, $0x3E7;
	[sflag:s31] =	ssyncset.done @!p0 $0x0;
	s0 =	simm.s32 @!p0 $0xC000  }
0x33: {  	s16 =	simm.s32 @!p2 $0x80;
	s18 =	simm.s32 @!p2 $0x1;
	[sflag:s31] =	ssyncadd.s32 @!p0 $0xFFFF8000  }
0x34: {  	[hbm4b:s30+s28] =	stream.linear.scatter @!p0 [tilespmem:s0], [sflag:$0x4], $0x8000, $0x38;
	[tilespmem:$0x14000] =	vst v63  }
0x35: {  	s0 =	sadd.s32 @!p2 s26, s13;
	s28 =	simm.s32 @!p2 $0x400;
	s30 =	simm.s32 @!p2 $0x2000  }
0x36: {  	[tilespmem:s30], [sflag:$0x2] =	stream.strided.gather @!p2 [hbm4b:s0+s16], $0x2000, s28, s16, $0x38;
	[tilespmem:$0x14000] =	vst v63  }
0x37: {  	p1 =	sne.s32 s29, $0x1F0000;
	s30 =	smov.u32 s24;
	_ =	swait.ge @!p2 [sflag:s18], $0x2000  }
0x38: {  	p0 =	por p2, p2;
	[sflag:s18] =	ssyncset.done @!p2 $0x0  }
0x39: {  	s0 =	simm.s32 @!p0 $0x3;
	[sflag:s18] =	ssyncadd.s32 @!p0 $0xFFFFE000  }
0x3a: {  	s28 =	simm.s32 @!p0 $0x0;
	p2 =	sgt.u32 s25, $0x3E7;
	_ =	swait.ge @!p0 [sflag:s0], $0x8000  }
0x3b: {  	s16 =	simm.s32 @!p0 $0x4000;
	s18 =	sadd.s32 @!p2 s26, s10;
	[sflag:s0] =	ssyncset.done @!p0 $0x0  }
0x3c: {  	s26 =	simm.s32 @!p2 $0x80;
	[sflag:s0] =	ssyncadd.s32 @!p0 $0xFFFF8000;
	s0 =	sadd.s32 @!p0 $0xFFFFF000, s24  }
0x3d: {  	[hbm4b:s0+s28] =	stream.linear.scatter @!p0 [tilespmem:s16], [sflag:$0x3], $0x8000, $0x38;
	[tilespmem:$0x14000] =	vst v63  }
0x3e: {  	s0 =	sand.u32 @!p2 $0x1FC000, s18;
	s16 =	simm.s32 @!p2 $0x0;
	s18 =	simm.s32 @!p0 $0x2  }
.Ltmp0:
0x3f: {  	s31 =	simm.s32 @!p2 $0x400;
	s0 =	sadd.s32 @!p2 s0, s4;
	(pc) =	sbr.rel @p1 .LBB2_2-.Ltmp0, $4  }
0x40: {  	[tilespmem:s16], [sflag:$0x1] =	stream.strided.gather @!p2 [hbm4b:s0+s26], $0x2000, s31, s26, $0x38;
	[tilespmem:$0x14000] =	vst v63  }
0x41: {  	s26 =	smov.u32 s1;
	_ =	swait.ge @!p0 [sflag:s18], $0x2000  }
0x42: {  	s31 =	simm.s32 @!p0 $0x4;
	[sflag:s18] =	ssyncset.done @!p0 $0x0  }
0x43: {  	s25 =	sadd.s32 $0x20, s25;
	s24 =	sadd.s32 $0x40000, s24;
	[sflag:s18] =	ssyncadd.s32 @!p0 $0xFFFFE000  }
0x44: {  	s0 =	sadd.s32 $0xFFFFFFE0, s25;
	_ =	swait.ge @!p0 [sflag:s31], $0x8000  }
0x45: {  	p1 =	sgt.u32 s0, $0x3E7;
	[sflag:s31] =	ssyncset.done @!p0 $0x0;
	s0 =	simm.s32 @!p0 $0xC000  }
0x46: {  	s1 =	simm.s32 @!p1 $0x80;
	s16 =	simm.s32 @!p1 $0x1;
	[sflag:s31] =	ssyncadd.s32 @!p0 $0xFFFF8000  }
0x47: {  	[hbm4b:s30+s28] =	stream.linear.scatter @!p0 [tilespmem:s0], [sflag:$0x4], $0x8000, $0x38;
	[tilespmem:$0x14000] =	vst v63  }
0x48: {  	s18 =	simm.s32 @!p1 $0x400;
	s0 =	sadd.s32 @!p1 s26, s13;
	s28 =	simm.s32 @!p1 $0x2000  }
0x49: {  	[tilespmem:s28], [sflag:$0x2] =	stream.strided.gather @!p1 [hbm4b:s0+s1], $0x2000, s18, s1, $0x38;
	[tilespmem:$0x14000] =	vst v63  }
0x4a: {  	_ =	swait.ge @!p1 [sflag:s16], $0x2000  }
0x4b: {  	p0 =	por p1, p1;
	[sflag:s16] =	ssyncset.done @!p1 $0x0  }
0x4c: {  	s0 =	simm.s32 @!p0 $0x3;
	[sflag:s16] =	ssyncadd.s32 @!p0 $0xFFFFE000  }
0x4d: {  	s1 =	simm.s32 @!p0 $0x0;
	_ =	swait.ge @!p0 [sflag:s0], $0x8000  }
0x4e: {  	p1 =	sgt.u32 s25, $0x3E7;
	s16 =	simm.s32 @!p0 $0x4000;
	[sflag:s0] =	ssyncset.done @!p0 $0x0  }
0x4f: {  	s18 =	sadd.s32 @!p1 s26, s10;
	[sflag:s0] =	ssyncadd.s32 @!p0 $0xFFFF8000;
	s0 =	sadd.s32 @!p0 $0xFFFFF000, s24  }
0x50: {  	[hbm4b:s0+s1] =	stream.linear.scatter @!p0 [tilespmem:s16], [sflag:$0x3], $0x8000, $0x38;
	[tilespmem:$0x14000] =	vst v63  }
0x51: {  	s25 =	simm.s32 @!p1 $0x80;
	s26 =	simm.s32 @!p1 $0x400;
	s0 =	sand.u32 @!p1 $0x1FC000, s18  }
0x52: {  	s16 =	simm.s32 @!p1 $0x0;
	s18 =	simm.s32 @!p0 $0x2;
	s0 =	sadd.s32 @!p1 s0, s4  }
0x53: {  	[tilespmem:s16], [sflag:$0x1] =	stream.strided.gather @!p1 [hbm4b:s0+s25], $0x2000, s26, s25, $0x38;
	[tilespmem:$0x14000] =	vst v63  }
0x54: {  	_ =	swait.ge @!p0 [sflag:s18], $0x2000  }
0x55: {  	[sflag:s18] =	ssyncset.done @!p0 $0x0  }
0x56: {  	s0 =	simm.s32 @!p0 $0x4;
	[sflag:s18] =	ssyncadd.s32 @!p0 $0xFFFFE000  }
0x57: {  	_ =	swait.ge @!p0 [sflag:s0], $0x8000  }
0x58: {  	[sflag:s0] =	ssyncset.done @!p0 $0x0  }
0x59: {  	s23 =	sadd.s32 $0x1, s23;
	s16 =	simm.s32 @!p0 $0xC000;
	[sflag:s0] =	ssyncadd.s32 @!p0 $0xFFFF8000  }
0x5a: {  	[hbm4b:s24+s1] =	stream.linear.scatter @!p0 [tilespmem:s16], [sflag:$0x4], $0x8000, $0x38;
	[tilespmem:$0x14000] =	vst v63  }
0x5b: {  	p0 =	sne.s32 s23, s5;
	_ =	swait.ge [sflag:s21], $0x8000  }
.Ltmp1:
0x5c: {  	[sflag:s21] =	ssyncset.done $0x0;
	(pc) =	sbr.rel @p0 .LBB2_1-.Ltmp1, $4  }
0x5d: {  	[sflag:s21] =	ssyncadd.s32 $0xFFFF8000  }
0x5e: {  	_ =	swait.ge [sflag:s22], $0x8000  }
0x5f: {  	[sflag:s22] =	ssyncset.done $0x0  }
0x60: {  	[sflag:s22] =	ssyncadd.s32 $0xFFFF8000  }
0x61: {  	_ =	sfence.sel $0x180000  }
0x62: {  	[bflag:$0x0] =	sbarrier.arrive $0xFFFF  }
0x63: {  	_ =	strace $0x90000047  }
0x64: {  	s0 =	stileid.u32;
	[bflag:$0x2] =	sbarrier.arrive $0xFFFF  }
0x65: {  	p0 =	sne.s32 s0, $0x0;
	s0 =	rddreg [dreg:$0x2]  }
0x66: {  	s0 =	sadd.s32 @!p0 $0x100000, s0  }
0x67: {  	[sflag:s0] =	ssyncadd.tile.s32 @!p0 $0x1;
	_ =	shalt  }
.Lfunc_end2:
_tile_overlayer_lowered:
.L_overlay_start_2:
0x68: {  	(tag) =	ssettag $0x2  }
0x69: {  	s0 =	rddreg [dreg:$0x0];
	s2 =	stileid.u32  }
0x6a: {  	s1 =	rddreg [dreg:$0x1];
	p0 =	sne.s32 s2, $0x0  }
0x6b: {  	s3 =	rddreg [dreg:$0x2];
	[bflag:$0x3] =	sbarrier.arrive $0xFFFF;
	s2 =	simm.s32 @!p0 $0x1C05  }
0x6c: {  	[timem:s3], [sflag:s2] =	dma.local @!p0 [hbm:s0], s1  }
0x6d: {  	s0 =	simm.s32 @!p0 $0x5  }
0x6e: {  	_ =	swait.ge @!p0 [sflag:s0], s1  }
0x6f: {  	s1 =	ssub.s32 @!p0 $0x0, s1;
	[sflag:s0] =	ssyncset.done @!p0 $0x0  }
0x70: {  	[sflag:s0] =	ssyncadd.s32 @!p0 s1  }
0x71: {  	[bflag:$0x3] =	sbarrier.arrive $0xFFFF  }
0x72: {  	_ =	shalt  }

</sc_bundles>
